<compile_context>
chip_gen: v7x
topology: tpu7x:2x2x1
jax: 0.10.2.dev20260603
libtpu: 0.0.44.dev20260713+nightly
codegen_flags: <defaults>
</compile_context>

<pallas_src>
import functools

import jax
import jax.numpy as jnp
from jax import lax
from jax.experimental import pallas as pl
from jax.experimental.pallas import tpu as pltpu
from jax.experimental.pallas import tpu_sc as plsc

D_MODEL = 128
NUM_CORES = 2
NUM_SUBCORES = 16
NUM_WORKERS = NUM_CORES * NUM_SUBCORES
CHUNK = 128


def _project_table_body(table_ref, w_ref, b_ref, out_ref):
    out_ref[...] = (
        jnp.dot(table_ref[...], w_ref[...], preferred_element_type=jnp.float32)
        + b_ref[...]
    )


def _make_gather(t_total: int):
    assert t_total % (NUM_WORKERS * CHUNK) == 0
    chunks_per_worker = t_total // (NUM_WORKERS * CHUNK)
    mesh = plsc.VectorSubcoreMesh(
        core_axis_name="c",
        subcore_axis_name="s",
        num_cores=NUM_CORES,
        num_subcores=NUM_SUBCORES,
    )

    assert chunks_per_worker % 4 == 0

    @functools.partial(
        pl.kernel,
        out_type=jax.ShapeDtypeStruct((t_total, D_MODEL), jnp.float32),
        mesh=mesh,
        scratch_types=[
            pltpu.VMEM_SHARED((64, D_MODEL), jnp.float32),
            pltpu.VMEM((chunks_per_worker, CHUNK), jnp.int32),
            [pltpu.VMEM((CHUNK, D_MODEL), jnp.float32) for _ in range(4)],
            [pltpu.SemaphoreType.DMA for _ in range(2)],
            [pltpu.SemaphoreType.DMA for _ in range(2)],
        ],
    )
    def gather_kernel(p_hbm, tok_hbm, out_hbm, p_sh, idx_v, rows, gsems, wsems):
        wid = lax.axis_index("s") * NUM_CORES + lax.axis_index("c")
        chunk0 = wid * chunks_per_worker
        @pl.when(lax.axis_index("s") == 0)
        def _():
            pltpu.sync_copy(p_hbm, p_sh)

        pltpu.sync_copy(tok_hbm.at[pl.ds(chunk0, chunks_per_worker)], idx_v)
        plsc.subcore_barrier()

        def out_at(j):
            return out_hbm.at[pl.ds((chunk0 + j) * CHUNK, CHUNK)]

        @pl.loop(0, chunks_per_worker, step=4)
        def _(j):
            descs = []
            for pair in range(2):
                @pl.when(j >= 4)
                def _():
                    for b in range(2):
                        pltpu.make_async_copy(
                            rows[2 * pair + b], out_at(0), wsems[pair]
                        ).wait()
                descs.append([
                    pltpu.async_copy(
                        p_sh.at[idx_v.at[j + 2 * pair + b]],
                        rows[2 * pair + b],
                        gsems[pair],
                    )
                    for b in range(2)
                ])
            for pair in range(2):
                for b in range(2):
                    descs[pair][b].wait()
                    pltpu.async_copy(
                        rows[2 * pair + b], out_at(j + 2 * pair + b), wsems[pair]
                    )

        for pair in range(2):
            for b in range(2):
                pltpu.make_async_copy(rows[2 * pair + b], out_at(0), wsems[pair]).wait()

    return gather_kernel


def kernel(tokens, embedding_table, W, b):
    k, fan_in = embedding_table.shape
    t_total = tokens.shape[0]
    p = pl.pallas_call(
        _project_table_body,
        out_shape=jax.ShapeDtypeStruct((k, D_MODEL), jnp.float32),
    )(embedding_table, W, b.reshape(1, D_MODEL))
    tok2d = tokens.astype(jnp.int32).reshape(t_total // CHUNK, CHUNK)
    return _make_gather(t_total)(p, tok2d)

# --- scband reference (transcript-rebuilt; emitter-appended) ---
"""Pipeline reference for scband-embedding-generator-78202764526164 (READ-ONLY COPY).

The authoritative reference and input builder live on the scoring server;
editing this copy changes nothing except your own understanding.
"""

import jax, jax.numpy as jnp
import numpy as np

K = 64
D_MODEL = 128
T = 262144

def setup_inputs(seed: int = 0) -> dict:
    key = jax.random.key(seed)
    k1, k2, k3, k4, k5 = jax.random.split(key, 5)
    # HMM parameters -> embedding table [K, 2+K] = [[mu_k, sigma_k, A[k,:]]]
    mu = jax.random.normal(k1, (K,), dtype=jnp.float32)
    sigma = jax.random.uniform(k2, (K,), dtype=jnp.float32) + 0.1
    A = jax.random.uniform(k3, (K, K), dtype=jnp.float32)
    A = A / jnp.sum(A, axis=1, keepdims=True)
    embedding_table = jnp.concatenate([mu[:, None], sigma[:, None], A], axis=1)  # [K, 2+K]
    # Linear projection (2+K) -> d_model
    fan_in = K + 2
    bound = 1.0 / np.sqrt(fan_in)
    W = jax.random.uniform(k4, (fan_in, D_MODEL), dtype=jnp.float32, minval=-bound, maxval=bound)
    b = jnp.zeros((D_MODEL,), dtype=jnp.float32)
    tokens = jax.random.randint(k5, (T,), 0, K, dtype=jnp.int64)
    return {"tokens": tokens, "embedding_table": embedding_table, "W": W, "b": b}

def reference(tokens, embedding_table, W, b):
    # embeddings_raw = self.embedding_table[tokens]
    embeddings_raw = jnp.take(embedding_table, tokens, axis=0)  # [T, 2+K]
    # embeddings_projected = self.projection(embeddings_raw)
    embeddings_projected = embeddings_raw @ W + b  # [T, d_model]
    return embeddings_projected

if __name__ == "__main__":
    import jax
    _d = setup_inputs()
    print(jax.jit(kernel)(*tuple(_d.values())))

</pallas_src>

<mosaic_0001>
#map = affine_map<(d0, d1) -> (0, 0)>
module attributes {stable_mosaic.version = 14 : i64} {
  func.func @gather_kernel(%arg0: i32, %arg1: i32, %arg2: memref<64x128xf32, #tpu.memory_space<hbm>>, %arg3: memref<2048x128xi32, #tpu.memory_space<hbm>>, %arg4: memref<262144x128xf32, #tpu.memory_space<hbm>>, %arg5: memref<64x128xf32, #tpu.memory_space<vmem_shared>>, %arg6: memref<64x128xi32, #tpu.memory_space<vmem>>, %arg7: memref<128x128xf32, #tpu.memory_space<vmem>>, %arg8: memref<128x128xf32, #tpu.memory_space<vmem>>, %arg9: memref<128x128xf32, #tpu.memory_space<vmem>>, %arg10: memref<128x128xf32, #tpu.memory_space<vmem>>, %arg11: memref<!tpu.dma_semaphore, #tpu.memory_space<semaphore_mem>>, %arg12: memref<!tpu.dma_semaphore, #tpu.memory_space<semaphore_mem>>, %arg13: memref<!tpu.dma_semaphore, #tpu.memory_space<semaphore_mem>>, %arg14: memref<!tpu.dma_semaphore, #tpu.memory_space<semaphore_mem>>) attributes {dimension_semantics = [#tpu.dimension_semantics<core_parallel>, #tpu.dimension_semantics<subcore_parallel>], iteration_bounds = array<i64: 2, 16>, scalar_prefetch = 0 : i64, scratch_operands = 10 : i64, tpu.core_type = #tpu.core_type<sc_vector_subcore>, window_params = [{transform_indices = #map}, {transform_indices = #map}, {transform_indices = #map}]} {
    %mul3A = arith.constant 2 : i32
    %mul3A_0 = arith.muli %arg1, %mul3A : i32
    %add3A = arith.addi %mul3A_0, %arg0 : i32
    %mul3A_1 = arith.constant 64 : i32
    %mul3A_2 = arith.muli %add3A, %mul3A_1 : i32
    %eq3A = arith.constant 0 : i32
    %eq3A_3 = arith.cmpi eq, %arg1, %eq3A : i32
    %convert_element_type3A = arith.extui %eq3A_3 : i1 to i32
    %cond3A = arith.constant 0 : i32
    %cond3A_4 = arith.cmpi ne, %convert_element_type3A, %cond3A : i32
    scf.if %cond3A_4 {
      "tpu.region"() ({
        %run_scoped3A = tpu.sem_alloc : memref<!tpu.dma_semaphore, #tpu.memory_space<semaphore_mem>>
        tpu.enqueue_dma source(%arg2 : memref<64x128xf32, #tpu.memory_space<hbm>>) target(%arg5 : memref<64x128xf32, #tpu.memory_space<vmem_shared>>) target_semaphore(%run_scoped3A : memref<!tpu.dma_semaphore, #tpu.memory_space<semaphore_mem>>)
        tpu.wait_dma2 semaphore(%run_scoped3A : memref<!tpu.dma_semaphore, #tpu.memory_space<semaphore_mem>>) src(%arg2 : memref<64x128xf32, #tpu.memory_space<hbm>>) dst(%arg5 : memref<64x128xf32, #tpu.memory_space<vmem_shared>>)
        tpu.yield
      }) : () -> ()
    } else {
    }
    "tpu.region"() ({
      %run_scoped3A = tpu.sem_alloc : memref<!tpu.dma_semaphore, #tpu.memory_space<semaphore_mem>>
      %dma_start3A = arith.constant 0 : i32
      %dma_start3A_40 = tpu.memref_slice %arg3[%mul3A_2, %dma_start3A] : memref<2048x128xi32, #tpu.memory_space<hbm>> -> memref<64x128xi32, #tpu.memory_space<hbm>>
      %dma_start3A_41 = arith.constant 0 : i32
      %dma_start3A_42 = tpu.memref_slice %arg3[%mul3A_2, %dma_start3A_41] : memref<2048x128xi32, #tpu.memory_space<hbm>> -> memref<64x128xi32, #tpu.memory_space<hbm>>
      tpu.enqueue_dma source(%dma_start3A_42 : memref<64x128xi32, #tpu.memory_space<hbm>>) target(%arg6 : memref<64x128xi32, #tpu.memory_space<vmem>>) target_semaphore(%run_scoped3A : memref<!tpu.dma_semaphore, #tpu.memory_space<semaphore_mem>>)
      %dma_wait3A_43 = arith.constant 0 : i32
      %dma_wait3A_44 = tpu.memref_slice %arg3[%mul3A_2, %dma_wait3A_43] : memref<2048x128xi32, #tpu.memory_space<hbm>> -> memref<64x128xi32, #tpu.memory_space<hbm>>
      %dma_wait3A_45 = arith.constant 0 : i32
      %dma_wait3A_46 = tpu.memref_slice %arg3[%mul3A_2, %dma_wait3A_45] : memref<2048x128xi32, #tpu.memory_space<hbm>> -> memref<64x128xi32, #tpu.memory_space<hbm>>
      tpu.wait_dma2 semaphore(%run_scoped3A : memref<!tpu.dma_semaphore, #tpu.memory_space<semaphore_mem>>) src(%dma_wait3A_46 : memref<64x128xi32, #tpu.memory_space<hbm>>) dst(%arg6 : memref<64x128xi32, #tpu.memory_space<vmem>>)
      tpu.yield
    }) : () -> ()
    %barrier3A = arith.constant 0 : index
    tpu.barrier barrier_id(%barrier3A)
    %scan3A = arith.constant 0 : i32
    %scan3A_5 = arith.constant 16 : i32
    %scan3A_6 = arith.addi %scan3A, %scan3A_5 : i32
    %scan3A_7 = arith.constant 1 : i32
    scf.for %scan3A_40 = %scan3A to %scan3A_6 step %scan3A_7  : i32 {
      %mul3A_41 = arith.constant 4 : i32
      %mul3A_42 = arith.muli %scan3A_40, %mul3A_41 : i32
      %add3A_43 = arith.constant 0 : i32
      %add3A_44 = arith.addi %add3A_43, %mul3A_42 : i32
      %ge3A = arith.constant 4 : i32
      %ge3A_45 = arith.cmpi sge, %add3A_44, %ge3A : i32
      %convert_element_type3A_46 = arith.extui %ge3A_45 : i1 to i32
      %cond3A_47 = arith.constant 0 : i32
      %cond3A_48 = arith.cmpi ne, %convert_element_type3A_46, %cond3A_47 : i32
      scf.if %cond3A_48 {
        %add3A_161 = arith.constant 0 : i32
        %add3A_162 = arith.addi %mul3A_2, %add3A_161 : i32
        %mul3A_163 = arith.constant 128 : i32
        %mul3A_164 = arith.muli %add3A_162, %mul3A_163 : i32
        %dma_wait3A_165 = arith.constant 0 : i32
        %dma_wait3A_166 = tpu.memref_slice %arg4[%mul3A_164, %dma_wait3A_165] : memref<262144x128xf32, #tpu.memory_space<hbm>> -> memref<128x128xf32, #tpu.memory_space<hbm>>
        %dma_wait3A_167 = arith.constant 0 : i32
        %dma_wait3A_168 = tpu.memref_slice %arg4[%mul3A_164, %dma_wait3A_167] : memref<262144x128xf32, #tpu.memory_space<hbm>> -> memref<128x128xf32, #tpu.memory_space<hbm>>
        tpu.wait_dma2 semaphore(%arg13 : memref<!tpu.dma_semaphore, #tpu.memory_space<semaphore_mem>>) src(%arg7 : memref<128x128xf32, #tpu.memory_space<vmem>>) dst(%dma_wait3A_168 : memref<128x128xf32, #tpu.memory_space<hbm>>)
        %add3A_169 = arith.constant 0 : i32
        %add3A_170 = arith.addi %mul3A_2, %add3A_169 : i32
        %mul3A_171 = arith.constant 128 : i32
        %mul3A_172 = arith.muli %add3A_170, %mul3A_171 : i32
        %dma_wait3A_173 = arith.constant 0 : i32
        %dma_wait3A_174 = tpu.memref_slice %arg4[%mul3A_172, %dma_wait3A_173] : memref<262144x128xf32, #tpu.memory_space<hbm>> -> memref<128x128xf32, #tpu.memory_space<hbm>>
        %dma_wait3A_175 = arith.constant 0 : i32
        %dma_wait3A_176 = tpu.memref_slice %arg4[%mul3A_172, %dma_wait3A_175] : memref<262144x128xf32, #tpu.memory_space<hbm>> -> memref<128x128xf32, #tpu.memory_space<hbm>>
        tpu.wait_dma2 semaphore(%arg13 : memref<!tpu.dma_semaphore, #tpu.memory_space<semaphore_mem>>) src(%arg8 : memref<128x128xf32, #tpu.memory_space<vmem>>) dst(%dma_wait3A_176 : memref<128x128xf32, #tpu.memory_space<hbm>>)
      } else {
      }
      %add3A_49 = arith.constant 0 : i32
      %add3A_50 = arith.addi %add3A_44, %add3A_49 : i32
      %add3A_51 = arith.constant 0 : i32
      %add3A_52 = arith.addi %add3A_50, %add3A_51 : i32
      %dma_start3A = arith.constant 0 : i32
      %dma_start3A_53 = tpu.memref_slice %arg6[%add3A_52, %dma_start3A] : memref<64x128xi32, #tpu.memory_space<vmem>> -> memref<1x128xi32, #tpu.memory_space<vmem>>
      %dma_start3A_54 = tpu.memref_squeeze %dma_start3A_53 : memref<1x128xi32, #tpu.memory_space<vmem>> -> memref<128xi32, #tpu.memory_space<vmem>>
      %dma_start3A_55 = arith.constant 0 : i32
      %dma_start3A_56 = arith.constant 0 : i32
      %dma_start3A_57 = tpu.memref_slice %arg5[%dma_start3A_55, %dma_start3A_56] : memref<64x128xf32, #tpu.memory_space<vmem_shared>> -> memref<64x128xf32, #tpu.memory_space<vmem_shared>>
      tpu.enqueue_indirect_dma source(%dma_start3A_57 : memref<64x128xf32, #tpu.memory_space<vmem_shared>>) target(%arg7 : memref<128x128xf32, #tpu.memory_space<vmem>>) offsets(%dma_start3A_54 : memref<128xi32, #tpu.memory_space<vmem>>) semaphore(%arg11 : memref<!tpu.dma_semaphore, #tpu.memory_space<semaphore_mem>>)
      %add3A_58 = arith.constant 0 : i32
      %add3A_59 = arith.addi %add3A_44, %add3A_58 : i32
      %add3A_60 = arith.constant 1 : i32
      %add3A_61 = arith.addi %add3A_59, %add3A_60 : i32
      %dma_start3A_62 = arith.constant 0 : i32
      %dma_start3A_63 = tpu.memref_slice %arg6[%add3A_61, %dma_start3A_62] : memref<64x128xi32, #tpu.memory_space<vmem>> -> memref<1x128xi32, #tpu.memory_space<vmem>>
      %dma_start3A_64 = tpu.memref_squeeze %dma_start3A_63 : memref<1x128xi32, #tpu.memory_space<vmem>> -> memref<128xi32, #tpu.memory_space<vmem>>
      %dma_start3A_65 = arith.constant 0 : i32
      %dma_start3A_66 = arith.constant 0 : i32
      %dma_start3A_67 = tpu.memref_slice %arg5[%dma_start3A_65, %dma_start3A_66] : memref<64x128xf32, #tpu.memory_space<vmem_shared>> -> memref<64x128xf32, #tpu.memory_space<vmem_shared>>
      tpu.enqueue_indirect_dma source(%dma_start3A_67 : memref<64x128xf32, #tpu.memory_space<vmem_shared>>) target(%arg8 : memref<128x128xf32, #tpu.memory_space<vmem>>) offsets(%dma_start3A_64 : memref<128xi32, #tpu.memory_space<vmem>>) semaphore(%arg11 : memref<!tpu.dma_semaphore, #tpu.memory_space<semaphore_mem>>)
      %ge3A_68 = arith.constant 4 : i32
      %ge3A_69 = arith.cmpi sge, %add3A_44, %ge3A_68 : i32
      %convert_element_type3A_70 = arith.extui %ge3A_69 : i1 to i32
      %cond3A_71 = arith.constant 0 : i32
      %cond3A_72 = arith.cmpi ne, %convert_element_type3A_70, %cond3A_71 : i32
      scf.if %cond3A_72 {
        %add3A_161 = arith.constant 0 : i32
        %add3A_162 = arith.addi %mul3A_2, %add3A_161 : i32
        %mul3A_163 = arith.constant 128 : i32
        %mul3A_164 = arith.muli %add3A_162, %mul3A_163 : i32
        %dma_wait3A_165 = arith.constant 0 : i32
        %dma_wait3A_166 = tpu.memref_slice %arg4[%mul3A_164, %dma_wait3A_165] : memref<262144x128xf32, #tpu.memory_space<hbm>> -> memref<128x128xf32, #tpu.memory_space<hbm>>
        %dma_wait3A_167 = arith.constant 0 : i32
        %dma_wait3A_168 = tpu.memref_slice %arg4[%mul3A_164, %dma_wait3A_167] : memref<262144x128xf32, #tpu.memory_space<hbm>> -> memref<128x128xf32, #tpu.memory_space<hbm>>
        tpu.wait_dma2 semaphore(%arg14 : memref<!tpu.dma_semaphore, #tpu.memory_space<semaphore_mem>>) src(%arg9 : memref<128x128xf32, #tpu.memory_space<vmem>>) dst(%dma_wait3A_168 : memref<128x128xf32, #tpu.memory_space<hbm>>)
        %add3A_169 = arith.constant 0 : i32
        %add3A_170 = arith.addi %mul3A_2, %add3A_169 : i32
        %mul3A_171 = arith.constant 128 : i32
        %mul3A_172 = arith.muli %add3A_170, %mul3A_171 : i32
        %dma_wait3A_173 = arith.constant 0 : i32
        %dma_wait3A_174 = tpu.memref_slice %arg4[%mul3A_172, %dma_wait3A_173] : memref<262144x128xf32, #tpu.memory_space<hbm>> -> memref<128x128xf32, #tpu.memory_space<hbm>>
        %dma_wait3A_175 = arith.constant 0 : i32
        %dma_wait3A_176 = tpu.memref_slice %arg4[%mul3A_172, %dma_wait3A_175] : memref<262144x128xf32, #tpu.memory_space<hbm>> -> memref<128x128xf32, #tpu.memory_space<hbm>>
        tpu.wait_dma2 semaphore(%arg14 : memref<!tpu.dma_semaphore, #tpu.memory_space<semaphore_mem>>) src(%arg10 : memref<128x128xf32, #tpu.memory_space<vmem>>) dst(%dma_wait3A_176 : memref<128x128xf32, #tpu.memory_space<hbm>>)
      } else {
      }
      %add3A_73 = arith.constant 2 : i32
      %add3A_74 = arith.addi %add3A_44, %add3A_73 : i32
      %add3A_75 = arith.constant 0 : i32
      %add3A_76 = arith.addi %add3A_74, %add3A_75 : i32
      %dma_start3A_77 = arith.constant 0 : i32
      %dma_start3A_78 = tpu.memref_slice %arg6[%add3A_76, %dma_start3A_77] : memref<64x128xi32, #tpu.memory_space<vmem>> -> memref<1x128xi32, #tpu.memory_space<vmem>>
      %dma_start3A_79 = tpu.memref_squeeze %dma_start3A_78 : memref<1x128xi32, #tpu.memory_space<vmem>> -> memref<128xi32, #tpu.memory_space<vmem>>
      %dma_start3A_80 = arith.constant 0 : i32
      %dma_start3A_81 = arith.constant 0 : i32
      %dma_start3A_82 = tpu.memref_slice %arg5[%dma_start3A_80, %dma_start3A_81] : memref<64x128xf32, #tpu.memory_space<vmem_shared>> -> memref<64x128xf32, #tpu.memory_space<vmem_shared>>
      tpu.enqueue_indirect_dma source(%dma_start3A_82 : memref<64x128xf32, #tpu.memory_space<vmem_shared>>) target(%arg9 : memref<128x128xf32, #tpu.memory_space<vmem>>) offsets(%dma_start3A_79 : memref<128xi32, #tpu.memory_space<vmem>>) semaphore(%arg12 : memref<!tpu.dma_semaphore, #tpu.memory_space<semaphore_mem>>)
      %add3A_83 = arith.constant 2 : i32
      %add3A_84 = arith.addi %add3A_44, %add3A_83 : i32
      %add3A_85 = arith.constant 1 : i32
      %add3A_86 = arith.addi %add3A_84, %add3A_85 : i32
      %dma_start3A_87 = arith.constant 0 : i32
      %dma_start3A_88 = tpu.memref_slice %arg6[%add3A_86, %dma_start3A_87] : memref<64x128xi32, #tpu.memory_space<vmem>> -> memref<1x128xi32, #tpu.memory_space<vmem>>
      %dma_start3A_89 = tpu.memref_squeeze %dma_start3A_88 : memref<1x128xi32, #tpu.memory_space<vmem>> -> memref<128xi32, #tpu.memory_space<vmem>>
      %dma_start3A_90 = arith.constant 0 : i32
      %dma_start3A_91 = arith.constant 0 : i32
      %dma_start3A_92 = tpu.memref_slice %arg5[%dma_start3A_90, %dma_start3A_91] : memref<64x128xf32, #tpu.memory_space<vmem_shared>> -> memref<64x128xf32, #tpu.memory_space<vmem_shared>>
      tpu.enqueue_indirect_dma source(%dma_start3A_92 : memref<64x128xf32, #tpu.memory_space<vmem_shared>>) target(%arg10 : memref<128x128xf32, #tpu.memory_space<vmem>>) offsets(%dma_start3A_89 : memref<128xi32, #tpu.memory_space<vmem>>) semaphore(%arg12 : memref<!tpu.dma_semaphore, #tpu.memory_space<semaphore_mem>>)
      %dma_wait3A_93 = arith.constant 0 : i32
      %dma_wait3A_94 = tpu.memref_slice %arg6[%add3A_52, %dma_wait3A_93] : memref<64x128xi32, #tpu.memory_space<vmem>> -> memref<1x128xi32, #tpu.memory_space<vmem>>
      %dma_wait3A_95 = tpu.memref_squeeze %dma_wait3A_94 : memref<1x128xi32, #tpu.memory_space<vmem>> -> memref<128xi32, #tpu.memory_space<vmem>>
      %dma_wait3A_96 = arith.constant 0 : i32
      %dma_wait3A_97 = arith.constant 0 : i32
      %dma_wait3A_98 = tpu.memref_slice %arg5[%dma_wait3A_96, %dma_wait3A_97] : memref<64x128xf32, #tpu.memory_space<vmem_shared>> -> memref<64x128xf32, #tpu.memory_space<vmem_shared>>
      tpu.wait_indirect_dma semaphore(%arg11 : memref<!tpu.dma_semaphore, #tpu.memory_space<semaphore_mem>>) src(%dma_wait3A_98 : memref<64x128xf32, #tpu.memory_space<vmem_shared>>) dst(%arg7 : memref<128x128xf32, #tpu.memory_space<vmem>>)
      %add3A_99 = arith.constant 0 : i32
      %add3A_100 = arith.addi %add3A_44, %add3A_99 : i32
      %add3A_101 = arith.constant 0 : i32
      %add3A_102 = arith.addi %add3A_100, %add3A_101 : i32
      %add3A_103 = arith.addi %mul3A_2, %add3A_102 : i32
      %mul3A_104 = arith.constant 128 : i32
      %mul3A_105 = arith.muli %add3A_103, %mul3A_104 : i32
      %dma_start3A_106 = arith.constant 0 : i32
      %dma_start3A_107 = tpu.memref_slice %arg4[%mul3A_105, %dma_start3A_106] : memref<262144x128xf32, #tpu.memory_space<hbm>> -> memref<128x128xf32, #tpu.memory_space<hbm>>
      %dma_start3A_108 = arith.constant 0 : i32
      %dma_start3A_109 = tpu.memref_slice %arg4[%mul3A_105, %dma_start3A_108] : memref<262144x128xf32, #tpu.memory_space<hbm>> -> memref<128x128xf32, #tpu.memory_space<hbm>>
      tpu.enqueue_dma source(%arg7 : memref<128x128xf32, #tpu.memory_space<vmem>>) target(%dma_start3A_109 : memref<128x128xf32, #tpu.memory_space<hbm>>) target_semaphore(%arg13 : memref<!tpu.dma_semaphore, #tpu.memory_space<semaphore_mem>>)
      %dma_wait3A_110 = arith.constant 0 : i32
      %dma_wait3A_111 = tpu.memref_slice %arg6[%add3A_61, %dma_wait3A_110] : memref<64x128xi32, #tpu.memory_space<vmem>> -> memref<1x128xi32, #tpu.memory_space<vmem>>
      %dma_wait3A_112 = tpu.memref_squeeze %dma_wait3A_111 : memref<1x128xi32, #tpu.memory_space<vmem>> -> memref<128xi32, #tpu.memory_space<vmem>>
      %dma_wait3A_113 = arith.constant 0 : i32
      %dma_wait3A_114 = arith.constant 0 : i32
      %dma_wait3A_115 = tpu.memref_slice %arg5[%dma_wait3A_113, %dma_wait3A_114] : memref<64x128xf32, #tpu.memory_space<vmem_shared>> -> memref<64x128xf32, #tpu.memory_space<vmem_shared>>
      tpu.wait_indirect_dma semaphore(%arg11 : memref<!tpu.dma_semaphore, #tpu.memory_space<semaphore_mem>>) src(%dma_wait3A_115 : memref<64x128xf32, #tpu.memory_space<vmem_shared>>) dst(%arg8 : memref<128x128xf32, #tpu.memory_space<vmem>>)
      %add3A_116 = arith.constant 0 : i32
      %add3A_117 = arith.addi %add3A_44, %add3A_116 : i32
      %add3A_118 = arith.constant 1 : i32
      %add3A_119 = arith.addi %add3A_117, %add3A_118 : i32
      %add3A_120 = arith.addi %mul3A_2, %add3A_119 : i32
      %mul3A_121 = arith.constant 128 : i32
      %mul3A_122 = arith.muli %add3A_120, %mul3A_121 : i32
      %dma_start3A_123 = arith.constant 0 : i32
      %dma_start3A_124 = tpu.memref_slice %arg4[%mul3A_122, %dma_start3A_123] : memref<262144x128xf32, #tpu.memory_space<hbm>> -> memref<128x128xf32, #tpu.memory_space<hbm>>
      %dma_start3A_125 = arith.constant 0 : i32
      %dma_start3A_126 = tpu.memref_slice %arg4[%mul3A_122, %dma_start3A_125] : memref<262144x128xf32, #tpu.memory_space<hbm>> -> memref<128x128xf32, #tpu.memory_space<hbm>>
      tpu.enqueue_dma source(%arg8 : memref<128x128xf32, #tpu.memory_space<vmem>>) target(%dma_start3A_126 : memref<128x128xf32, #tpu.memory_space<hbm>>) target_semaphore(%arg13 : memref<!tpu.dma_semaphore, #tpu.memory_space<semaphore_mem>>)
      %dma_wait3A_127 = arith.constant 0 : i32
      %dma_wait3A_128 = tpu.memref_slice %arg6[%add3A_76, %dma_wait3A_127] : memref<64x128xi32, #tpu.memory_space<vmem>> -> memref<1x128xi32, #tpu.memory_space<vmem>>
      %dma_wait3A_129 = tpu.memref_squeeze %dma_wait3A_128 : memref<1x128xi32, #tpu.memory_space<vmem>> -> memref<128xi32, #tpu.memory_space<vmem>>
      %dma_wait3A_130 = arith.constant 0 : i32
      %dma_wait3A_131 = arith.constant 0 : i32
      %dma_wait3A_132 = tpu.memref_slice %arg5[%dma_wait3A_130, %dma_wait3A_131] : memref<64x128xf32, #tpu.memory_space<vmem_shared>> -> memref<64x128xf32, #tpu.memory_space<vmem_shared>>
      tpu.wait_indirect_dma semaphore(%arg12 : memref<!tpu.dma_semaphore, #tpu.memory_space<semaphore_mem>>) src(%dma_wait3A_132 : memref<64x128xf32, #tpu.memory_space<vmem_shared>>) dst(%arg9 : memref<128x128xf32, #tpu.memory_space<vmem>>)
      %add3A_133 = arith.constant 2 : i32
      %add3A_134 = arith.addi %add3A_44, %add3A_133 : i32
      %add3A_135 = arith.constant 0 : i32
      %add3A_136 = arith.addi %add3A_134, %add3A_135 : i32
      %add3A_137 = arith.addi %mul3A_2, %add3A_136 : i32
      %mul3A_138 = arith.constant 128 : i32
      %mul3A_139 = arith.muli %add3A_137, %mul3A_138 : i32
      %dma_start3A_140 = arith.constant 0 : i32
      %dma_start3A_141 = tpu.memref_slice %arg4[%mul3A_139, %dma_start3A_140] : memref<262144x128xf32, #tpu.memory_space<hbm>> -> memref<128x128xf32, #tpu.memory_space<hbm>>
      %dma_start3A_142 = arith.constant 0 : i32
      %dma_start3A_143 = tpu.memref_slice %arg4[%mul3A_139, %dma_start3A_142] : memref<262144x128xf32, #tpu.memory_space<hbm>> -> memref<128x128xf32, #tpu.memory_space<hbm>>
      tpu.enqueue_dma source(%arg9 : memref<128x128xf32, #tpu.memory_space<vmem>>) target(%dma_start3A_143 : memref<128x128xf32, #tpu.memory_space<hbm>>) target_semaphore(%arg14 : memref<!tpu.dma_semaphore, #tpu.memory_space<semaphore_mem>>)
      %dma_wait3A_144 = arith.constant 0 : i32
      %dma_wait3A_145 = tpu.memref_slice %arg6[%add3A_86, %dma_wait3A_144] : memref<64x128xi32, #tpu.memory_space<vmem>> -> memref<1x128xi32, #tpu.memory_space<vmem>>
      %dma_wait3A_146 = tpu.memref_squeeze %dma_wait3A_145 : memref<1x128xi32, #tpu.memory_space<vmem>> -> memref<128xi32, #tpu.memory_space<vmem>>
      %dma_wait3A_147 = arith.constant 0 : i32
      %dma_wait3A_148 = arith.constant 0 : i32
      %dma_wait3A_149 = tpu.memref_slice %arg5[%dma_wait3A_147, %dma_wait3A_148] : memref<64x128xf32, #tpu.memory_space<vmem_shared>> -> memref<64x128xf32, #tpu.memory_space<vmem_shared>>
      tpu.wait_indirect_dma semaphore(%arg12 : memref<!tpu.dma_semaphore, #tpu.memory_space<semaphore_mem>>) src(%dma_wait3A_149 : memref<64x128xf32, #tpu.memory_space<vmem_shared>>) dst(%arg10 : memref<128x128xf32, #tpu.memory_space<vmem>>)
      %add3A_150 = arith.constant 2 : i32
      %add3A_151 = arith.addi %add3A_44, %add3A_150 : i32
      %add3A_152 = arith.constant 1 : i32
      %add3A_153 = arith.addi %add3A_151, %add3A_152 : i32
      %add3A_154 = arith.addi %mul3A_2, %add3A_153 : i32
      %mul3A_155 = arith.constant 128 : i32
      %mul3A_156 = arith.muli %add3A_154, %mul3A_155 : i32
      %dma_start3A_157 = arith.constant 0 : i32
      %dma_start3A_158 = tpu.memref_slice %arg4[%mul3A_156, %dma_start3A_157] : memref<262144x128xf32, #tpu.memory_space<hbm>> -> memref<128x128xf32, #tpu.memory_space<hbm>>
      %dma_start3A_159 = arith.constant 0 : i32
      %dma_start3A_160 = tpu.memref_slice %arg4[%mul3A_156, %dma_start3A_159] : memref<262144x128xf32, #tpu.memory_space<hbm>> -> memref<128x128xf32, #tpu.memory_space<hbm>>
      tpu.enqueue_dma source(%arg10 : memref<128x128xf32, #tpu.memory_space<vmem>>) target(%dma_start3A_160 : memref<128x128xf32, #tpu.memory_space<hbm>>) target_semaphore(%arg14 : memref<!tpu.dma_semaphore, #tpu.memory_space<semaphore_mem>>)
    }
    %scan3A_8 = arith.constant 16 : i32
    %add3A_9 = arith.constant 0 : i32
    %add3A_10 = arith.addi %mul3A_2, %add3A_9 : i32
    %mul3A_11 = arith.constant 128 : i32
    %mul3A_12 = arith.muli %add3A_10, %mul3A_11 : i32
    %dma_wait3A = arith.constant 0 : i32
    %dma_wait3A_13 = tpu.memref_slice %arg4[%mul3A_12, %dma_wait3A] : memref<262144x128xf32, #tpu.memory_space<hbm>> -> memref<128x128xf32, #tpu.memory_space<hbm>>
    %dma_wait3A_14 = arith.constant 0 : i32
    %dma_wait3A_15 = tpu.memref_slice %arg4[%mul3A_12, %dma_wait3A_14] : memref<262144x128xf32, #tpu.memory_space<hbm>> -> memref<128x128xf32, #tpu.memory_space<hbm>>
    tpu.wait_dma2 semaphore(%arg13 : memref<!tpu.dma_semaphore, #tpu.memory_space<semaphore_mem>>) src(%arg7 : memref<128x128xf32, #tpu.memory_space<vmem>>) dst(%dma_wait3A_15 : memref<128x128xf32, #tpu.memory_space<hbm>>)
    %add3A_16 = arith.constant 0 : i32
    %add3A_17 = arith.addi %mul3A_2, %add3A_16 : i32
    %mul3A_18 = arith.constant 128 : i32
    %mul3A_19 = arith.muli %add3A_17, %mul3A_18 : i32
    %dma_wait3A_20 = arith.constant 0 : i32
    %dma_wait3A_21 = tpu.memref_slice %arg4[%mul3A_19, %dma_wait3A_20] : memref<262144x128xf32, #tpu.memory_space<hbm>> -> memref<128x128xf32, #tpu.memory_space<hbm>>
    %dma_wait3A_22 = arith.constant 0 : i32
    %dma_wait3A_23 = tpu.memref_slice %arg4[%mul3A_19, %dma_wait3A_22] : memref<262144x128xf32, #tpu.memory_space<hbm>> -> memref<128x128xf32, #tpu.memory_space<hbm>>
    tpu.wait_dma2 semaphore(%arg13 : memref<!tpu.dma_semaphore, #tpu.memory_space<semaphore_mem>>) src(%arg8 : memref<128x128xf32, #tpu.memory_space<vmem>>) dst(%dma_wait3A_23 : memref<128x128xf32, #tpu.memory_space<hbm>>)
    %add3A_24 = arith.constant 0 : i32
    %add3A_25 = arith.addi %mul3A_2, %add3A_24 : i32
    %mul3A_26 = arith.constant 128 : i32
    %mul3A_27 = arith.muli %add3A_25, %mul3A_26 : i32
    %dma_wait3A_28 = arith.constant 0 : i32
    %dma_wait3A_29 = tpu.memref_slice %arg4[%mul3A_27, %dma_wait3A_28] : memref<262144x128xf32, #tpu.memory_space<hbm>> -> memref<128x128xf32, #tpu.memory_space<hbm>>
    %dma_wait3A_30 = arith.constant 0 : i32
    %dma_wait3A_31 = tpu.memref_slice %arg4[%mul3A_27, %dma_wait3A_30] : memref<262144x128xf32, #tpu.memory_space<hbm>> -> memref<128x128xf32, #tpu.memory_space<hbm>>
    tpu.wait_dma2 semaphore(%arg14 : memref<!tpu.dma_semaphore, #tpu.memory_space<semaphore_mem>>) src(%arg9 : memref<128x128xf32, #tpu.memory_space<vmem>>) dst(%dma_wait3A_31 : memref<128x128xf32, #tpu.memory_space<hbm>>)
    %add3A_32 = arith.constant 0 : i32
    %add3A_33 = arith.addi %mul3A_2, %add3A_32 : i32
    %mul3A_34 = arith.constant 128 : i32
    %mul3A_35 = arith.muli %add3A_33, %mul3A_34 : i32
    %dma_wait3A_36 = arith.constant 0 : i32
    %dma_wait3A_37 = tpu.memref_slice %arg4[%mul3A_35, %dma_wait3A_36] : memref<262144x128xf32, #tpu.memory_space<hbm>> -> memref<128x128xf32, #tpu.memory_space<hbm>>
    %dma_wait3A_38 = arith.constant 0 : i32
    %dma_wait3A_39 = tpu.memref_slice %arg4[%mul3A_35, %dma_wait3A_38] : memref<262144x128xf32, #tpu.memory_space<hbm>> -> memref<128x128xf32, #tpu.memory_space<hbm>>
    tpu.wait_dma2 semaphore(%arg14 : memref<!tpu.dma_semaphore, #tpu.memory_space<semaphore_mem>>) src(%arg10 : memref<128x128xf32, #tpu.memory_space<vmem>>) dst(%dma_wait3A_39 : memref<128x128xf32, #tpu.memory_space<hbm>>)
    return
  }
}

module attributes {stable_mosaic.version = 14 : i64} {
  func.func @_project_table_body(%arg0: memref<64x66xf32, #tpu.memory_space<vmem>>, %arg1: memref<66x128xf32, #tpu.memory_space<vmem>>, %arg2: memref<1x128xf32, #tpu.memory_space<vmem>>, %arg3: memref<64x128xf32, #tpu.memory_space<vmem>>) attributes {dimension_semantics = [], scalar_prefetch = 0 : i64, scratch_operands = 0 : i64, tpu.core_type = #tpu.core_type<tc>} {
    %get3A = arith.constant 0 : index
    %get3A_0 = arith.constant 0 : index
    %get3A_1 = vector.load %arg0[%get3A, %get3A_0] : memref<64x66xf32, #tpu.memory_space<vmem>>, vector<64x66xf32>
    %get3A_2 = arith.constant 0 : index
    %get3A_3 = arith.constant 0 : index
    %get3A_4 = vector.load %arg1[%get3A_2, %get3A_3] : memref<66x128xf32, #tpu.memory_space<vmem>>, vector<66x128xf32>
    %dot_general3A = arith.constant dense<0.000000e+00> : vector<64x128xf32>
    %dot_general3A_5 = tpu.matmul %get3A_1, %get3A_4, %dot_general3A {dimension_numbers = #tpu.dot_dimension_numbers<[1], [0], [0], [1], [0, 0, 1, 1], [], []>, transpose_lhs_hint = false} : vector<64x66xf32>, vector<66x128xf32>, vector<64x128xf32> -> vector<64x128xf32>
    %get3A_6 = arith.constant 0 : index
    %get3A_7 = arith.constant 0 : index
    %get3A_8 = vector.load %arg2[%get3A_6, %get3A_7] : memref<1x128xf32, #tpu.memory_space<vmem>>, vector<1x128xf32>
    %add3A = vector.broadcast %get3A_8 : vector<1x128xf32> to vector<64x128xf32>
    %add3A_9 = arith.addf %dot_general3A_5, %add3A : vector<64x128xf32>
    %swap3A = arith.constant 0 : index
    %swap3A_10 = arith.constant 0 : index
    %swap3A_11 = vector.load %arg3[%swap3A, %swap3A_10] : memref<64x128xf32, #tpu.memory_space<vmem>>, vector<64x128xf32>
    tpu.vector_store %arg3[%swap3A, %swap3A_10], %add3A_9 {strides = array<i32>} : memref<64x128xf32, #tpu.memory_space<vmem>>, vector<64x128xf32>,
    return
  }
}

</mosaic_0001>

<sc_bundles>
// kernel: kernel.4.cloned.1.call-start
scs
__scs_entry_jumppad:
0x0: {  	(pc) =	sbr.rel $0x88, $3  }
0x1: {  	(tag) =	ssettag $0x0;
	lr =	simm.s32 $0x1  }
0x2: {  	[smem:$0x3F9D] =	sst lr;
	_ =	strace $0xD0000000  }
0x3: {  	_ = 	snop  }
0x4: {  	_ = 	snop  }
0x5: {  	_ = 	snop  }
0x6: {  	_ = 	snop  }
0x7: {  	_ = 	snop  }
__scs_overlays_trampoline_lowered:
0x8: {  	[smem:$0x3FAC] =	sst s0  }
0x9: {  	[smem:$0x3FAD] =	sst s1  }
0xa: {  	[smem:$0x3FAE] =	sst s2  }
0xb: {  	[smem:$0x3FAF] =	sst s3  }
0xc: {  	[smem:$0x3FB0] =	sst s4  }
0xd: {  	[smem:$0x3FB1] =	sst s5  }
0xe: {  	[smem:$0x3FB2] =	sst s6  }
0xf: {  	[smem:$0x3FB3] =	sst s7  }
0x10: {  	[smem:$0x3FB4] =	sst s8  }
0x11: {  	[smem:$0x3FB5] =	sst s9;
	s0 =	simm.s32 @!p0 $0x0  }
0x12: {  	s1 =	sld [smem:$0x3F9B];
	s0 =	simm.s32 @p0 $0x1  }
0x13: {  	[smem:$0x3FB6] =	sst s0;
	s0 =	simm.s32 @!p1 $0x0  }
0x14: {  	s2 =	sld [smem:$0x3F9A];
	s0 =	simm.s32 @p1 $0x1  }
0x15: {  	[smem:$0x3FB7] =	sst s0;
	s0 =	simm.s32 @!p2 $0x0  }
0x16: {  	s3 =	sld [smem:$0x3FDB];
	s0 =	simm.s32 @p2 $0x1  }
0x17: {  	s4 =	simm.s32 $0x1BF5;
	[smem:$0x3FB9] =	sst s0  }
0x18: {  	s0 =	sld [smem:$0x3F9C];
	_ =	swait.ge [sflag:s4], $0x0  }
0x19: {  	s7 =	sld [smem:$0x3F9D]  }
0x1a: {  	s8 =	sadd.s32 $0xFFFFE003, lr  }
0x1b: {  	s9 =	sadd.s32 $0xFFFFFEF7, lr;
	s5 =	simm.s32 $0xFFFFFFFF;
	p2 =	slt.u32 s8, $0xFFFFF086  }
0x1c: {  	p1 =	slt.u32 s9, $0xF7A;
	s5 =	simm.s32 @!p2 $0x0  }
0x1d: {  	s5 =	simm.s32 @p1 $0x1;
	p0 =	seq.s32 s7, s2  }
0x1e: {  	s7 =	smul.u32 @!p0 $0xF7A, s2;
	p2 =	seq.s32 @!p0 s5, $0x0  }
0x1f: {  	s9 =	smul.u32 $0xF7A, s1;
	s8 =	simm.s32 @!p0 $0x1BF5;
	p2 =	por !p2, p0  }
0x20: {  	[sflag:s8] =	ssyncset.s32 @!p0 $0xFFFFF086;
	s6 =	sadd.s32 @!p0 s3, s7;
	s7 =	simm.s32 @!p0 $0x108  }
0x21: {  	s3 =	sadd.s32 s3, s9;
	s6 =	sadd.s32 @!p0 $0x88, s6;
	s7 =	simm.s32 @p2 $0x1082  }
0x22: {  	[simem:s7], [sflag:s8] =	dma.local @!p0 [hbm:s6], $0xF7A  }
0x23: {  	s9 =	sor.u32 $0xD0000000, s2;
	s6 =	simm.s32 $0x108;
	_ =	swait.ge @!p0 [sflag:s8], $0x0  }
0x24: {  	s3 =	sadd.s32 $0x88, s3;
	s6 =	simm.s32 @!p1 $0x1082;
	[sflag:s4] =	ssyncset.s32 $0xFFFFF086  }
0x25: {  	[simem:s6], [sflag:s4] =	dma.local [hbm:s3], $0xF7A  }
0x26: {  	[smem:$0x3F9D] =	sst s1;
	(tag) =	ssettag s2;
	_ =	strace s9  }
0x27: {  	s1 =	sld [smem:$0x3FAD]  }
0x28: {  	s2 =	sld [smem:$0x3FAE]  }
0x29: {  	s4 =	sld [smem:$0x3FB0]  }
0x2a: {  	p0 =	seq.s32 s5, $0x0;
	s5 =	sld [smem:$0x3FB1]  }
0x2b: {  	s6 =	sld [smem:$0x3FB2]  }
0x2c: {  	s7 =	sld [smem:$0x3FB3]  }
0x2d: {  	s3 =	simm.s32 $0x108;
	s8 =	sld [smem:$0x3FB4]  }
0x2e: {  	s3 =	simm.s32 @!p0 $0x1082;
	s9 =	sld [smem:$0x3FB5]  }
0x2f: {  	lr =	sadd.s32 s0, s3;
	s0 =	sld [smem:$0x3FAC]  }
0x30: {  	s3 =	sld [smem:$0x3FAF]  }
0x31: {  	[smem:$0x3FB8] =	sst s10  }
0x32: {  	s10 =	sld [smem:$0x3FB6];
	_ =	sdelay $0x3  }
0x33: {  	p0 =	seq.s32 s10, $0x1;
	s10 =	sld [smem:$0x3FB8];
	_ =	sdelay $0x3  }
0x34: {  	[smem:$0x3FB8] =	sst s10  }
0x35: {  	s10 =	sld [smem:$0x3FB7];
	_ =	sdelay $0x3  }
0x36: {  	p1 =	seq.s32 s10, $0x1;
	s10 =	sld [smem:$0x3FB8];
	_ =	sdelay $0x3  }
0x37: {  	[smem:$0x3FB8] =	sst s10  }
0x38: {  	s10 =	sld [smem:$0x3FB9]  }
0x39: {  	_ = 	snop;
	(pc) =	sbr.ind lr, $3  }
0x3a: {  	_ = 	snop  }
0x3b: {  	_ = 	snop  }
0x3c: {  	p2 =	seq.s32 s10, $0x1;
	s10 =	sld [smem:$0x3FB8]  }
0x3d: {  	_ =	shalt  }
0x3e: {  	_ =	shalt  }
0x3f: {  	_ =	shalt  }
0x40: {  	_ =	shalt  }
0x41: {  	_ =	shalt  }
0x42: {  	_ =	shalt  }
0x43: {  	_ =	shalt  }
0x44: {  	_ =	shalt  }
0x45: {  	_ =	shalt  }
0x46: {  	_ =	shalt  }
0x47: {  	_ =	shalt  }
0x48: {  	_ =	shalt  }
0x49: {  	_ =	shalt  }
0x4a: {  	_ =	shalt  }
0x4b: {  	_ =	shalt  }
0x4c: {  	_ =	shalt  }
0x4d: {  	_ =	shalt  }
0x4e: {  	_ =	shalt  }
0x4f: {  	_ =	shalt  }
0x50: {  	_ =	shalt  }
0x51: {  	_ =	shalt  }
0x52: {  	_ =	shalt  }
0x53: {  	_ =	shalt  }
0x54: {  	_ =	shalt  }
0x55: {  	_ =	shalt  }
0x56: {  	_ =	shalt  }
0x57: {  	_ =	shalt  }
0x58: {  	_ =	shalt  }
0x59: {  	_ =	shalt  }
0x5a: {  	_ =	shalt  }
0x5b: {  	_ =	shalt  }
0x5c: {  	_ =	shalt  }
0x5d: {  	_ =	shalt  }
0x5e: {  	_ =	shalt  }
0x5f: {  	_ =	shalt  }
0x60: {  	_ =	shalt  }
0x61: {  	_ =	shalt  }
0x62: {  	_ =	shalt  }
0x63: {  	_ =	shalt  }
0x64: {  	_ =	shalt  }
0x65: {  	_ =	shalt  }
0x66: {  	_ =	shalt  }
0x67: {  	_ =	shalt  }
0x68: {  	_ =	shalt  }
0x69: {  	_ =	shalt  }
0x6a: {  	_ =	shalt  }
0x6b: {  	_ =	shalt  }
0x6c: {  	_ =	shalt  }
0x6d: {  	_ =	shalt  }
0x6e: {  	_ =	shalt  }
0x6f: {  	_ =	shalt  }
0x70: {  	_ =	shalt  }
0x71: {  	_ =	shalt  }
0x72: {  	_ =	shalt  }
0x73: {  	_ =	shalt  }
0x74: {  	_ =	shalt  }
0x75: {  	_ =	shalt  }
0x76: {  	_ =	shalt  }
0x77: {  	_ =	shalt  }
0x78: {  	_ =	shalt  }
0x79: {  	_ =	shalt  }
0x7a: {  	_ =	shalt  }
0x7b: {  	_ =	shalt  }
0x7c: {  	_ =	shalt  }
0x7d: {  	_ =	shalt  }
0x7e: {  	_ =	shalt  }
0x7f: {  	_ =	shalt  }
0x80: {  	_ =	shalt  }
0x81: {  	_ =	shalt  }
0x82: {  	_ =	shalt  }
0x83: {  	_ =	shalt  }
0x84: {  	_ =	shalt  }
0x85: {  	_ =	shalt  }
0x86: {  	_ =	shalt  }
0x87: {  	_ =	shalt  }
.Lfunc_end0:
.L_simem_size_0:
called_computation_lowered:
.L_overlay_start_0:
0x88: {  	s2 =	sld [smem:$0x3FD9]  }
0x89: {  	s3 =	sld [smem:$0x3FFE];
	_ =	sdelay $0x1  }
0x8a: {  	s1 =	srdreg.scid  }
0x8b: {  	s0 =	sand.u32 $0x1, s1  }
0x8c: {  	s17 =	sshll.u32 s0, $0xA;
	s2 =	sadd.s32 s3, s2  }
0x8d: {  	s2 =	sadd.s32 s2, s17  }
0x8e: {  	[smem:$0x3FC4] =	sst s2  }
0x8f: {  	_ = 	snop  }
0x90: {  	s2 =	sld [smem:$0x3FC9]  }
0x91: {  	s18 =	sld [smem:$0x3FD0];
	(tm) =	ssettm $0x1  }
0x92: {  	s4 =	sld [smem:$0x3FFB];
	_ =	sdelay $0x3  }
0x93: {  	_ =	strace s4  }
0x94: {  	s4 =	sld [smem:$0x3FFC];
	_ =	sdelay $0x3  }
0x95: {  	_ =	strace s4  }
0x96: {  	s4 =	sld [smem:$0x3FFD];
	_ =	sdelay $0x3  }
0x97: {  	_ =	strace s4  }
0x98: {  	_ =	strace $0x8FFFFFFF  }
0x99: {  	s19 =	sld [smem:$0x3FDB];
	_ =	sdelay $0x1  }
0x9a: {  	s5 =	simm.s32 $_scs_section_size  }
0x9b: {  	s6 =	simm.s32 $_size__tile_overlayer_lowered;
	s7 =	simm.s32 $_tile_overlayer_lowered  }
0x9c: {  	s22 =	simm.s32 $0x1BFF;
	s21 =	sshll.u32 s7, $0x1;
	s4 =	sadd.s32 s5, s19  }
0x9d: {  	s8 =	simm.s32 $0x0;
	s20 =	sshll.u32 s6, $0x1;
	s6 =	sadd.s32 s21, s4  }
0x9e: {  	[timem:s8], [sflag:s22] =	dma.local [hbm:s6], s20  }
0x9f: {  	_ =	swait.ge [sflag:s22], s20  }
0xa0: {  	s5 =	ssub.s32 $0x0, s20;
	[sflag:s22] =	ssyncset.done $0x0  }
0xa1: {  	[sflag:s22] =	ssyncadd.s32 s5;
	_ =	sdelay $0x1  }
0xa2: {  	s23 =	simm.s32 $0x1B8B  }
0xa3: {  	_ =	swait.ge [sflag:s23], $0x1  }
0xa4: {  	[sflag:s23] =	ssyncset.done $0x0  }
0xa5: {  	s25 =	simm.s32 $0x1B8E;
	s24 =	sld [smem:$0x3FFE];
	[sflag:s23] =	ssyncadd.s32 $0xFFFFFFFF  }
0xa6: {  	s26 =	simm.s32 $execute0_lowered;
	[smem:$0x3FD2] =	sst s25  }
0xa7: {  	s6 =	sshll.u32 s26, $0x1;
	_ =	strace $0x80000046;
	[dreg:$0x1] =	wrdreg $0xFFFFFFFF  }
0xa8: {  	s28 =	simm.s32 $_size_execute0_lowered;
	s4 =	sadd.s32 s4, s6;
	[dreg:$0x0] =	wrdreg $0x0  }
0xa9: {  	s6 =	sshll.u32 s28, $0x1;
	[dreg:$0x2] =	wrdreg s4  }
0xaa: {  	[dreg:$0x3] =	wrdreg s6  }
0xab: {  	[dreg:$0x4] =	wrdreg $0xC0  }
0xac: {  	_ =	task [dreg:s8], $0x5FFFF  }
0xad: {  	[dreg:$0x1] =	wrdreg $0xFFFFFFFF  }
0xae: {  	[dreg:$0x0] =	wrdreg $0x60  }
0xaf: {  	[dreg:$0x2] =	wrdreg s24  }
0xb0: {  	[dreg:$0x3] =	wrdreg s2  }
0xb1: {  	[dreg:$0x4] =	wrdreg s18  }
0xb2: {  	[dreg:$0x5] =	wrdreg $0x0  }
0xb3: {  	[dreg:$0x6] =	wrdreg $0x9  }
0xb4: {  	_ =	task.clear_ibuf [dreg:s8], $0x7FFFF;
	_ =	strace $0x90000046  }
0xb5: {  	s29 =	simm.s32 $0x9;
	_ =	strace $0x80000048  }
0xb6: {  	_ =	swait.ge [sflag:s29], $0x1  }
0xb7: {  	[sflag:s29] =	ssyncadd.s32 $0xFFFFFFFF  }
0xb8: {  	_ =	strace $0x90000048  }
0xb9: {  	_ =	sfence  }
0xba: {  	s30 =	sld [smem:$0x0];
	_ =	sdelay $0x2  }
0xbb: {  	s31 =	sshll.u32 s1, $0xD;
	s1 =	sshrl.u32 s1, $0x2  }
0xbc: {  	s3 =	sand.u32 $0x4000, s31;
	s1 =	sadd.s32 s1, s30  }
0xbd: {  	s0 =	sor.u32 s3, s0;
	s1 =	sshll.u32 s1, $0x11  }
0xbe: {  	s0 =	sor.u32 s1, s0  }
0xbf: {  	s0 =	sadd.s32 $0x8F2B, s0  }
0xc0: {  	[sflag:s0] =	ssyncadd.remote.s32 $0x1  }
0xc1: {  	_ =	sfence.sel $0xFFFF  }
0xc2: {  	[dreg:$0x0] =	wrdreg $0xFFFFFFFF;
	(pc) =	sbr.abs _section_cstart, $3  }
0xc3: {  	[dreg:$0x1] =	wrdreg $0xFFFFFFFF  }
0xc4: {  	_ =	task.clear_ibuf [dreg:s8], $0x2FFFF;
	_ =	strace $0x9FFFFFFF  }
0xc5: {  	(tm) =	ssettm $0x7FFFFFFF  }
tec
execute0_lowered:
.L_overlay_start_1:
0x0: {  	(tag) =	ssettag $0x1  }
0x1: {  	s3 =	rddreg [dreg:$0x0]  }
0x2: {  	s4 =	rddreg [dreg:$0x1]  }
0x3: {  	s8 =	rddreg [dreg:$0x2]  }
0x4: {  	s1 =	rddreg [dreg:$0x3]  }
0x5: {  	s0 =	rddreg [dreg:$0x4];
	s5 =	srdreg.scid  }
0x6: {  	s2 =	simm.s32 $0x0;
	s9 =	stileid.u32;
	s12 =	simm.s32 $0x200  }
0x7: {  	s13 =	simm.s32 $0x5;
	s14 =	simm.s32 $0x80;
	s15 =	simm.s32 $0x2200  }
0x8: {  	s16 =	simm.s32 $0x280;
	s17 =	simm.s32 $0x6200;
	s18 =	simm.s32 $0x300  }
0x9: {  	s19 =	simm.s32 $0xA200;
	s20 =	simm.s32 $0x380;
	s21 =	simm.s32 $0xE200  }
0xa: {  	s22 =	simm.s32 $0x1;
	s23 =	simm.s32 $0x2;
	s24 =	simm.s32 $0x3  }
0xb: {  	s25 =	simm.s32 $0x4;
	s26 =	simm.s32 $0x0;
	s10 =	sand.u32 $0x1, s5  }
0xc: {  	[smem:$0x7FF] =	sst s2;
	s28 =	sshll.u32 s9, $0x7;
	s3 =	sadd.s32 $0xC00, s3  }
0xd: {  	s31 =	sshll.u32 s9, $0x12;
	p0 =	sne.s32 s9, $0x0;
	s6 =	sshll.u32 s10, $0x6  }
0xe: {  	_ =	strace $0x80000047;
	s7 =	ssub.s32 $0x2, s10;
	s5 =	sor.u32 s6, s28  }
0xf: {  	s10 =	sshll.u32 s10, $0x11;
	s29 =	sshrl.u32 s7, $0x1;
	s11 =	sshll.u32 s5, $0x4  }
0x10: {  	s6 =	ssub.s32 s7, s29;
	s30 =	sshll.u32 s5, $0xB;
	s4 =	sadd.s32 s4, s11  }
0x11: {  	s5 =	smax.u32 s6, $0x1;
	s6 =	sadd.s32 s8, s30;
	s11 =	sadd.s32 s31, s8  }
0x12: {  	s7 =	sadd.s32 $0x800, s6;
	s8 =	sadd.s32 $0x1000, s6;
	s10 =	sadd.s32 s10, s11  }
0x13: {  	s9 =	sadd.s32 $0x1800, s6;
	s11 =	sshrl.u32 @!p0 s1, $0x3;
	s10 =	sadd.s32 $0x2000, s10  }
.LBB2_1:
0x14: {  	s28 =	simm.s32 @!p0 $0x1C05  }
0x15: {  	[spmem:s11], [sflag:s28] =	dma.local @!p0 [hbm:s3], $0x400  }
0x16: {  	s28 =	simm.s32 @!p0 $0x5  }
0x17: {  	_ =	swait.ge @!p0 [sflag:s28], $0x400  }
0x18: {  	[sflag:s28] =	ssyncset.done @!p0 $0x0  }
0x19: {  	[sflag:s28] =	ssyncadd.s32 @!p0 $0xFFFFFC00  }
0x1a: {  	[tilespmem:s12], [sflag:$0x5] =	stream.linear.gather [hbm4b:s4+s2], $0x2000, $0x38;
	[tilespmem:$0x12200] =	vst v63  }
0x1b: {  	_ =	swait.ge [sflag:s13], $0x2000  }
0x1c: {  	[sflag:s13] =	ssyncset.done $0x0  }
0x1d: {  	[sflag:s13] =	ssyncadd.s32 $0xFFFFE000  }
0x1e: {  	[bflag:$0x0] =	sbarrier.arrive $0xFFFF  }
0x1f: {  	[tilespmem:s15], [sflag:$0x1] =	stream.indirect.gather [spmem:s1], $0x80, s12, s14, $0xb8;
	[tilespmem:$0x12200] =	vst v63  }
0x20: {  	_ = 	snop  }
0x21: {  	[tilespmem:s17], [sflag:$0x1] =	stream.indirect.gather [spmem:s1], $0x80, s16, s14, $0xb8;
	[tilespmem:$0x12200] =	vst v63  }
0x22: {  	_ = 	snop  }
0x23: {  	[tilespmem:s19], [sflag:$0x2] =	stream.indirect.gather [spmem:s1], $0x80, s18, s14, $0xb8;
	[tilespmem:$0x12200] =	vst v63  }
0x24: {  	_ = 	snop  }
0x25: {  	[tilespmem:s21], [sflag:$0x2] =	stream.indirect.gather [spmem:s1], $0x80, s20, s14, $0xb8;
	[tilespmem:$0x12200] =	vst v63  }
0x26: {  	_ =	swait.ge [sflag:s22], $0x4000  }
0x27: {  	[sflag:s22] =	ssyncset.done $0x0  }
0x28: {  	[sflag:s22] =	ssyncadd.s32 $0xFFFFC000  }
0x29: {  	[hbm4b:s6+s2] =	stream.linear.scatter [tilespmem:s15], [sflag:$0x3], $0x4000, $0x38;
	[tilespmem:$0x12200] =	vst v63  }
0x2a: {  	_ =	swait.ge [sflag:s22], $0x4000  }
0x2b: {  	[sflag:s22] =	ssyncset.done $0x0  }
0x2c: {  	[sflag:s22] =	ssyncadd.s32 $0xFFFFC000  }
0x2d: {  	[hbm4b:s7+s2] =	stream.linear.scatter [tilespmem:s17], [sflag:$0x3], $0x4000, $0x38;
	[tilespmem:$0x12200] =	vst v63  }
0x2e: {  	_ =	swait.ge [sflag:s23], $0x4000  }
0x2f: {  	[sflag:s23] =	ssyncset.done $0x0  }
0x30: {  	[sflag:s23] =	ssyncadd.s32 $0xFFFFC000  }
0x31: {  	[hbm4b:s8+s2] =	stream.linear.scatter [tilespmem:s19], [sflag:$0x4], $0x4000, $0x38;
	[tilespmem:$0x12200] =	vst v63  }
0x32: {  	_ =	swait.ge [sflag:s23], $0x4000  }
0x33: {  	[sflag:s23] =	ssyncset.done $0x0  }
0x34: {  	[sflag:s23] =	ssyncadd.s32 $0xFFFFC000  }
0x35: {  	[hbm4b:s9+s2] =	stream.linear.scatter [tilespmem:s21], [sflag:$0x4], $0x4000, $0x38;
	[tilespmem:$0x12200] =	vst v63  }
0x36: {  	_ =	swait.ge [sflag:s24], $0x4000  }
0x37: {  	[sflag:s24] =	ssyncset.done $0x0  }
0x38: {  	[sflag:s24] =	ssyncadd.s32 $0xFFFFC000  }
0x39: {  	_ =	swait.ge [sflag:s24], $0x4000  }
0x3a: {  	[sflag:s24] =	ssyncset.done $0x0  }
0x3b: {  	s28 =	simm.s32 $0x400;
	[sflag:s24] =	ssyncadd.s32 $0xFFFFC000  }
0x3c: {  	[tilespmem:s15], [sflag:$0x1] =	stream.indirect.gather [spmem:s1], $0x80, s28, s14, $0xb8;
	[tilespmem:$0x12200] =	vst v63  }
0x3d: {  	s28 =	simm.s32 $0x480  }
0x3e: {  	[tilespmem:s17], [sflag:$0x1] =	stream.indirect.gather [spmem:s1], $0x80, s28, s14, $0xb8;
	[tilespmem:$0x12200] =	vst v63  }
0x3f: {  	_ =	swait.ge [sflag:s25], $0x4000  }
0x40: {  	[sflag:s25] =	ssyncset.done $0x0  }
0x41: {  	[sflag:s25] =	ssyncadd.s32 $0xFFFFC000  }
0x42: {  	_ =	swait.ge [sflag:s25], $0x4000  }
0x43: {  	[sflag:s25] =	ssyncset.done $0x0  }
0x44: {  	s28 =	simm.s32 $0x500;
	[sflag:s25] =	ssyncadd.s32 $0xFFFFC000  }
0x45: {  	[tilespmem:s19], [sflag:$0x2] =	stream.indirect.gather [spmem:s1], $0x80, s28, s14, $0xb8;
	[tilespmem:$0x12200] =	vst v63  }
0x46: {  	s28 =	simm.s32 $0x580  }
0x47: {  	[tilespmem:s21], [sflag:$0x2] =	stream.indirect.gather [spmem:s1], $0x80, s28, s14, $0xb8;
	[tilespmem:$0x12200] =	vst v63  }
0x48: {  	_ =	swait.ge [sflag:s22], $0x4000  }
0x49: {  	[sflag:s22] =	ssyncset.done $0x0  }
0x4a: {  	[sflag:s22] =	ssyncadd.s32 $0xFFFFC000  }
0x4b: {  	[hbm4b:s10+s2] =	stream.linear.scatter [tilespmem:s15], [sflag:$0x3], $0x4000, $0x38;
	[tilespmem:$0x12200] =	vst v63  }
0x4c: {  	_ =	swait.ge [sflag:s22], $0x4000  }
0x4d: {  	[sflag:s22] =	ssyncset.done $0x0  }
0x4e: {  	s28 =	sadd.s32 $0x800, s10;
	[sflag:s22] =	ssyncadd.s32 $0xFFFFC000  }
0x4f: {  	[hbm4b:s28+s2] =	stream.linear.scatter [tilespmem:s17], [sflag:$0x3], $0x4000, $0x38;
	[tilespmem:$0x12200] =	vst v63  }
0x50: {  	_ =	swait.ge [sflag:s23], $0x4000  }
0x51: {  	[sflag:s23] =	ssyncset.done $0x0  }
0x52: {  	s28 =	sadd.s32 $0x1000, s10;
	[sflag:s23] =	ssyncadd.s32 $0xFFFFC000  }
0x53: {  	[hbm4b:s28+s2] =	stream.linear.scatter [tilespmem:s19], [sflag:$0x4], $0x4000, $0x38;
	[tilespmem:$0x12200] =	vst v63  }
0x54: {  	_ =	swait.ge [sflag:s23], $0x4000  }
0x55: {  	s30 =	sadd.s32 $0x1800, s10;
	[sflag:s23] =	ssyncset.done $0x0  }
0x56: {  	s29 =	sadd.s32 $0x2000, s10;
	s28 =	simm.s32 $0x800;
	[sflag:s23] =	ssyncadd.s32 $0xFFFFC000  }
.LBB2_2:
0x57: {  	[hbm4b:s30+s2] =	stream.linear.scatter [tilespmem:s21], [sflag:$0x4], $0x4000, $0x38;
	[tilespmem:$0x12200] =	vst v63  }
0x58: {  	s30 =	smov.u32 s28  }
0x59: {  	p1 =	sne.s32 s28, $0x7000;
	s28 =	sadd.s32 $0x800, s28;
	_ =	swait.ge [sflag:s24], $0x4000  }
0x5a: {  	[sflag:s24] =	ssyncset.done $0x0  }
0x5b: {  	[sflag:s24] =	ssyncadd.s32 $0xFFFFC000  }
0x5c: {  	_ =	swait.ge [sflag:s24], $0x4000  }
0x5d: {  	s30 =	sshra.s32 s30, $0x2;
	[sflag:s24] =	ssyncset.done $0x0  }
0x5e: {  	s31 =	sadd.s32 $0x400, s30;
	[sflag:s24] =	ssyncadd.s32 $0xFFFFC000  }
0x5f: {  	[tilespmem:s15], [sflag:$0x1] =	stream.indirect.gather [spmem:s1], $0x80, s31, s14, $0xb8;
	[tilespmem:$0x12200] =	vst v63  }
0x60: {  	s31 =	sadd.s32 $0x480, s30  }
0x61: {  	[tilespmem:s17], [sflag:$0x1] =	stream.indirect.gather [spmem:s1], $0x80, s31, s14, $0xb8;
	[tilespmem:$0x12200] =	vst v63  }
0x62: {  	_ =	swait.ge [sflag:s25], $0x4000  }
0x63: {  	[sflag:s25] =	ssyncset.done $0x0  }
0x64: {  	[sflag:s25] =	ssyncadd.s32 $0xFFFFC000  }
0x65: {  	_ =	swait.ge [sflag:s25], $0x4000  }
0x66: {  	[sflag:s25] =	ssyncset.done $0x0  }
0x67: {  	s31 =	sadd.s32 $0x500, s30;
	[sflag:s25] =	ssyncadd.s32 $0xFFFFC000  }
0x68: {  	[tilespmem:s19], [sflag:$0x2] =	stream.indirect.gather [spmem:s1], $0x80, s31, s14, $0xb8;
	[tilespmem:$0x12200] =	vst v63  }
0x69: {  	s30 =	sadd.s32 $0x580, s30  }
0x6a: {  	[tilespmem:s21], [sflag:$0x2] =	stream.indirect.gather [spmem:s1], $0x80, s30, s14, $0xb8;
	[tilespmem:$0x12200] =	vst v63  }
0x6b: {  	_ =	swait.ge [sflag:s22], $0x4000  }
0x6c: {  	[sflag:s22] =	ssyncset.done $0x0  }
0x6d: {  	[sflag:s22] =	ssyncadd.s32 $0xFFFFC000  }
0x6e: {  	[hbm4b:s29+s2] =	stream.linear.scatter [tilespmem:s15], [sflag:$0x3], $0x4000, $0x38;
	[tilespmem:$0x12200] =	vst v63  }
0x6f: {  	_ =	swait.ge [sflag:s22], $0x4000  }
0x70: {  	[sflag:s22] =	ssyncset.done $0x0  }
0x71: {  	s30 =	sadd.s32 $0x800, s29;
	[sflag:s22] =	ssyncadd.s32 $0xFFFFC000  }
0x72: {  	[hbm4b:s30+s2] =	stream.linear.scatter [tilespmem:s17], [sflag:$0x3], $0x4000, $0x38;
	[tilespmem:$0x12200] =	vst v63  }
0x73: {  	_ =	swait.ge [sflag:s23], $0x4000  }
0x74: {  	[sflag:s23] =	ssyncset.done $0x0  }
.Ltmp0:
0x75: {  	s30 =	sadd.s32 $0x1000, s29;
	[sflag:s23] =	ssyncadd.s32 $0xFFFFC000;
	(pc) =	sbr.rel @p1 .LBB2_2-.Ltmp0, $4  }
0x76: {  	[hbm4b:s30+s2] =	stream.linear.scatter [tilespmem:s19], [sflag:$0x4], $0x4000, $0x38;
	[tilespmem:$0x12200] =	vst v63  }
0x77: {  	_ =	swait.ge [sflag:s23], $0x4000  }
0x78: {  	[sflag:s23] =	ssyncset.done $0x0  }
0x79: {  	s30 =	sadd.s32 $0x1800, s29;
	s29 =	sadd.s32 $0x2000, s29;
	[sflag:s23] =	ssyncadd.s32 $0xFFFFC000  }
0x7a: {  	[hbm4b:s30+s2] =	stream.linear.scatter [tilespmem:s21], [sflag:$0x4], $0x4000, $0x38;
	[tilespmem:$0x12200] =	vst v63  }
0x7b: {  	_ =	swait.ge [sflag:s24], $0x4000  }
0x7c: {  	[sflag:s24] =	ssyncset.done $0x0  }
0x7d: {  	[sflag:s24] =	ssyncadd.s32 $0xFFFFC000  }
0x7e: {  	_ =	swait.ge [sflag:s24], $0x4000  }
0x7f: {  	[sflag:s24] =	ssyncset.done $0x0  }
0x80: {  	s26 =	sadd.s32 $0x1, s26;
	[sflag:s24] =	ssyncadd.s32 $0xFFFFC000  }
0x81: {  	p1 =	sne.s32 s26, s5;
	_ =	swait.ge [sflag:s25], $0x4000  }
.Ltmp1:
0x82: {  	[sflag:s25] =	ssyncset.done $0x0;
	(pc) =	sbr.rel @p1 .LBB2_1-.Ltmp1, $4  }
0x83: {  	[sflag:s25] =	ssyncadd.s32 $0xFFFFC000  }
0x84: {  	_ =	swait.ge [sflag:s25], $0x4000  }
0x85: {  	[sflag:s25] =	ssyncset.done $0x0  }
0x86: {  	[sflag:s25] =	ssyncadd.s32 $0xFFFFC000  }
0x87: {  	_ =	sfence.sel $0x180000  }
0x88: {  	[bflag:$0x0] =	sbarrier.arrive $0xFFFF  }
0x89: {  	_ =	strace $0x90000047  }
0x8a: {  	s0 =	sadd.s32 @!p0 $0x100000, s0;
	[bflag:$0x2] =	sbarrier.arrive $0xFFFF  }
0x8b: {  	[sflag:s0] =	ssyncadd.tile.s32 @!p0 $0x1;
	_ =	shalt  }
.Lfunc_end2:
_tile_overlayer_lowered:
.L_overlay_start_2:
0x8c: {  	(tag) =	ssettag $0x2  }
0x8d: {  	s0 =	rddreg [dreg:$0x0];
	s2 =	stileid.u32  }
0x8e: {  	s1 =	rddreg [dreg:$0x1];
	p0 =	sne.s32 s2, $0x0  }
0x8f: {  	s3 =	rddreg [dreg:$0x2];
	[bflag:$0x3] =	sbarrier.arrive $0xFFFF;
	s2 =	simm.s32 @!p0 $0x1C05  }
0x90: {  	[timem:s3], [sflag:s2] =	dma.local @!p0 [hbm:s0], s1  }
0x91: {  	s0 =	simm.s32 @!p0 $0x5  }
0x92: {  	_ =	swait.ge @!p0 [sflag:s0], s1  }
0x93: {  	s1 =	ssub.s32 @!p0 $0x0, s1;
	[sflag:s0] =	ssyncset.done @!p0 $0x0  }
0x94: {  	[sflag:s0] =	ssyncadd.s32 @!p0 s1  }
0x95: {  	[bflag:$0x3] =	sbarrier.arrive $0xFFFF  }
0x96: {  	_ =	shalt  }

</sc_bundles>
